<compile_context>
chip_gen: v7x
topology: tpu7x:2x2x1
jax: 0.10.2.dev20260603
libtpu: 0.0.44.dev20260713+nightly
codegen_flags: <defaults>
</compile_context>

<pallas_src>
import functools

import jax
import jax.numpy as jnp
from jax import lax
from jax.experimental import pallas as pl
from jax.experimental.pallas import tpu as pltpu
from jax.experimental.pallas import tpu_sc as plsc

_NC = 2
_NS = 16
_NW = _NC * _NS

_CHUNK = 32


def _gather_kernel(total, d_model, n_chunks):
    mesh = plsc.VectorSubcoreMesh(core_axis_name="c", subcore_axis_name="s")
    n_per_w = n_chunks * _CHUNK
    n_pairs = n_chunks // 2

    @functools.partial(
        pl.kernel,
        mesh=mesh,
        out_type=jax.ShapeDtypeStruct((total, d_model), jnp.float32),
        scratch_types=[
            pltpu.VMEM((n_chunks, _CHUNK), jnp.int32),
            pltpu.VMEM((_CHUNK, d_model), jnp.float32),
            pltpu.VMEM((_CHUNK, d_model), jnp.float32),
            pltpu.SemaphoreType.DMA,
            pltpu.SemaphoreType.DMA,
        ],
    )
    def k(pe_hbm, idx_hbm, out_hbm, idx_v, rows0, rows1, gsem0, gsem1):
        wid = lax.axis_index("s") * _NC + lax.axis_index("c")
        base = wid * n_per_w
        pltpu.sync_copy(idx_hbm.at[wid], idx_v)

        def g_start(c, buf, sem):
            pltpu.async_copy(pe_hbm.at[idx_v.at[c]], buf, sem)

        def g_wait(c, buf, sem):
            pltpu.make_async_copy(pe_hbm.at[idx_v.at[c]], buf, sem).wait()

        def put(c, buf):
            pltpu.sync_copy(buf, out_hbm.at[pl.ds(base + c * _CHUNK, _CHUNK)])

        g_start(0, rows0, gsem0)
        g_start(1, rows1, gsem1)

        def body(p, carry):
            c0 = 2 * p
            g_wait(c0, rows0, gsem0)
            put(c0, rows0)
            g_start(c0 + 2, rows0, gsem0)
            g_wait(c0 + 1, rows1, gsem1)
            put(c0 + 1, rows1)
            g_start(c0 + 3, rows1, gsem1)
            return carry

        lax.fori_loop(0, n_pairs - 1, body, 0)

        c0 = n_chunks - 2
        g_wait(c0, rows0, gsem0)
        put(c0, rows0)
        g_wait(c0 + 1, rows1, gsem1)
        put(c0 + 1, rows1)

    return k


def kernel(x, pe):
    batch, seq_len = x.shape
    max_len, d_model = pe.shape
    total = batch * seq_len
    n_per_w = total // _NW
    n_chunks = n_per_w // _CHUNK
    idx = x.reshape(_NW, n_chunks, _CHUNK)
    out = _gather_kernel(total, d_model, n_chunks)(pe, idx)
    return out.reshape(batch, seq_len, d_model)

# --- scband reference (transcript-rebuilt; emitter-appended) ---
"""Pipeline reference for scband-positional-encoding-39470749450399 (READ-ONLY COPY).

The authoritative reference and input builder live on the scoring server;
editing this copy changes nothing except your own understanding.
"""

import jax, jax.numpy as jnp
import numpy as np
import math

D_MODEL = 1024
MAX_LEN = 8192
BATCH = 4
SEQ_LEN = 8192

def _build_pe():
    # Faithful to the (buggy) torch module: pe[:, 0::2] is assigned sin then
    # immediately overwritten with cos; odd columns are never written.
    # torch.empty leaves them uninitialized; we use zeros as the deterministic stand-in.
    position = jnp.arange(MAX_LEN, dtype=jnp.float32)[:, None]
    div_term = jnp.exp(jnp.arange(0, D_MODEL, 2, dtype=jnp.float32) * -(math.log(10000.0) / D_MODEL))
    pe = jnp.zeros((MAX_LEN, D_MODEL), dtype=jnp.float32)
    pe = pe.at[:, 0::2].set(jnp.sin(position * div_term))
    pe = pe.at[:, 0::2].set(jnp.cos(position * div_term))
    return pe

def setup_inputs(seed: int = 0) -> dict:
    key = jax.random.key(seed)
    x = jax.random.randint(key, (BATCH, SEQ_LEN), 0, MAX_LEN, dtype=jnp.int32)
    pe = _build_pe()
    return {"x": x, "pe": pe}

def reference(x, pe):
    # forward: x = self.pe[x, :]  (pure embedding-style gather)
    return jnp.take(pe, x, axis=0)

if __name__ == "__main__":
    import jax
    _d = setup_inputs()
    print(jax.jit(kernel)(*tuple(_d.values())))

</pallas_src>

<mosaic_0001>
#map = affine_map<(d0, d1) -> (0, 0)>
#map1 = affine_map<(d0, d1) -> (0, 0, 0)>
module attributes {stable_mosaic.version = 14 : i64} {
  func.func @k(%arg0: i32, %arg1: i32, %arg2: memref<8192x1024xf32, #tpu.memory_space<hbm>>, %arg3: memref<32x32x32xi32, #tpu.memory_space<hbm>>, %arg4: memref<32768x1024xf32, #tpu.memory_space<hbm>>, %arg5: memref<32x32xi32, #tpu.memory_space<vmem>>, %arg6: memref<32x1024xf32, #tpu.memory_space<vmem>>, %arg7: memref<32x1024xf32, #tpu.memory_space<vmem>>, %arg8: memref<!tpu.dma_semaphore, #tpu.memory_space<semaphore_mem>>, %arg9: memref<!tpu.dma_semaphore, #tpu.memory_space<semaphore_mem>>) attributes {dimension_semantics = [#tpu.dimension_semantics<core_parallel>, #tpu.dimension_semantics<subcore_parallel>], iteration_bounds = array<i64: 2, 16>, scalar_prefetch = 0 : i64, scratch_operands = 5 : i64, tpu.core_type = #tpu.core_type<sc_vector_subcore>, window_params = [{transform_indices = #map}, {transform_indices = #map1}, {transform_indices = #map}]} {
    %mul3A = arith.constant 2 : i32
    %mul3A_0 = arith.muli %arg1, %mul3A : i32
    %add3A = arith.addi %mul3A_0, %arg0 : i32
    %mul3A_1 = arith.constant 1024 : i32
    %mul3A_2 = arith.muli %add3A, %mul3A_1 : i32
    "tpu.region"() ({
      %run_scoped3A = tpu.sem_alloc : memref<!tpu.dma_semaphore, #tpu.memory_space<semaphore_mem>>
      %dma_start3A_38 = arith.constant 0 : i32
      %dma_start3A_39 = arith.constant 0 : i32
      %dma_start3A_40 = tpu.memref_slice %arg3[%add3A, %dma_start3A_38, %dma_start3A_39] : memref<32x32x32xi32, #tpu.memory_space<hbm>> -> memref<1x32x32xi32, #tpu.memory_space<hbm>>
      %dma_start3A_41 = tpu.memref_squeeze %dma_start3A_40 : memref<1x32x32xi32, #tpu.memory_space<hbm>> -> memref<32x32xi32, #tpu.memory_space<hbm>>
      %dma_start3A_42 = arith.constant 0 : i32
      %dma_start3A_43 = arith.constant 0 : i32
      %dma_start3A_44 = tpu.memref_slice %arg3[%add3A, %dma_start3A_42, %dma_start3A_43] : memref<32x32x32xi32, #tpu.memory_space<hbm>> -> memref<1x32x32xi32, #tpu.memory_space<hbm>>
      %dma_start3A_45 = tpu.memref_squeeze %dma_start3A_44 : memref<1x32x32xi32, #tpu.memory_space<hbm>> -> memref<32x32xi32, #tpu.memory_space<hbm>>
      tpu.enqueue_dma source(%dma_start3A_45 : memref<32x32xi32, #tpu.memory_space<hbm>>) target(%arg5 : memref<32x32xi32, #tpu.memory_space<vmem>>) target_semaphore(%run_scoped3A : memref<!tpu.dma_semaphore, #tpu.memory_space<semaphore_mem>>)
      %dma_wait3A_46 = arith.constant 0 : i32
      %dma_wait3A_47 = arith.constant 0 : i32
      %dma_wait3A_48 = tpu.memref_slice %arg3[%add3A, %dma_wait3A_46, %dma_wait3A_47] : memref<32x32x32xi32, #tpu.memory_space<hbm>> -> memref<1x32x32xi32, #tpu.memory_space<hbm>>
      %dma_wait3A_49 = tpu.memref_squeeze %dma_wait3A_48 : memref<1x32x32xi32, #tpu.memory_space<hbm>> -> memref<32x32xi32, #tpu.memory_space<hbm>>
      %dma_wait3A_50 = arith.constant 0 : i32
      %dma_wait3A_51 = arith.constant 0 : i32
      %dma_wait3A_52 = tpu.memref_slice %arg3[%add3A, %dma_wait3A_50, %dma_wait3A_51] : memref<32x32x32xi32, #tpu.memory_space<hbm>> -> memref<1x32x32xi32, #tpu.memory_space<hbm>>
      %dma_wait3A_53 = tpu.memref_squeeze %dma_wait3A_52 : memref<1x32x32xi32, #tpu.memory_space<hbm>> -> memref<32x32xi32, #tpu.memory_space<hbm>>
      tpu.wait_dma2 semaphore(%run_scoped3A : memref<!tpu.dma_semaphore, #tpu.memory_space<semaphore_mem>>) src(%dma_wait3A_53 : memref<32x32xi32, #tpu.memory_space<hbm>>) dst(%arg5 : memref<32x32xi32, #tpu.memory_space<vmem>>)
      tpu.yield
    }) : () -> ()
    %dma_start3A = arith.constant 0 : i32
    %dma_start3A_3 = arith.constant 0 : i32
    %dma_start3A_4 = tpu.memref_slice %arg5[%dma_start3A, %dma_start3A_3] : memref<32x32xi32, #tpu.memory_space<vmem>> -> memref<1x32xi32, #tpu.memory_space<vmem>>
    %dma_start3A_5 = tpu.memref_squeeze %dma_start3A_4 : memref<1x32xi32, #tpu.memory_space<vmem>> -> memref<32xi32, #tpu.memory_space<vmem>>
    %dma_start3A_6 = arith.constant 0 : i32
    %dma_start3A_7 = arith.constant 0 : i32
    %dma_start3A_8 = tpu.memref_slice %arg2[%dma_start3A_6, %dma_start3A_7] : memref<8192x1024xf32, #tpu.memory_space<hbm>> -> memref<8192x1024xf32, #tpu.memory_space<hbm>>
    tpu.enqueue_indirect_dma source(%dma_start3A_8 : memref<8192x1024xf32, #tpu.memory_space<hbm>>) target(%arg6 : memref<32x1024xf32, #tpu.memory_space<vmem>>) offsets(%dma_start3A_5 : memref<32xi32, #tpu.memory_space<vmem>>) semaphore(%arg8 : memref<!tpu.dma_semaphore, #tpu.memory_space<semaphore_mem>>)
    %dma_start3A_9 = arith.constant 1 : i32
    %dma_start3A_10 = arith.constant 0 : i32
    %dma_start3A_11 = tpu.memref_slice %arg5[%dma_start3A_9, %dma_start3A_10] : memref<32x32xi32, #tpu.memory_space<vmem>> -> memref<1x32xi32, #tpu.memory_space<vmem>>
    %dma_start3A_12 = tpu.memref_squeeze %dma_start3A_11 : memref<1x32xi32, #tpu.memory_space<vmem>> -> memref<32xi32, #tpu.memory_space<vmem>>
    %dma_start3A_13 = arith.constant 0 : i32
    %dma_start3A_14 = arith.constant 0 : i32
    %dma_start3A_15 = tpu.memref_slice %arg2[%dma_start3A_13, %dma_start3A_14] : memref<8192x1024xf32, #tpu.memory_space<hbm>> -> memref<8192x1024xf32, #tpu.memory_space<hbm>>
    tpu.enqueue_indirect_dma source(%dma_start3A_15 : memref<8192x1024xf32, #tpu.memory_space<hbm>>) target(%arg7 : memref<32x1024xf32, #tpu.memory_space<vmem>>) offsets(%dma_start3A_12 : memref<32xi32, #tpu.memory_space<vmem>>) semaphore(%arg9 : memref<!tpu.dma_semaphore, #tpu.memory_space<semaphore_mem>>)
    %scan3A = arith.constant 0 : i32
    %scan3A_16 = arith.constant 0 : i32
    %scan3A_17 = arith.constant 15 : i32
    %scan3A_18 = arith.addi %scan3A_16, %scan3A_17 : i32
    %scan3A_19 = arith.constant 1 : i32
    scf.for %scan3A_38 = %scan3A_16 to %scan3A_18 step %scan3A_19  : i32 {
      %mul3A_39 = arith.constant 2 : i32
      %mul3A_40 = arith.muli %mul3A_39, %scan3A_38 : i32
      %dma_wait3A_41 = arith.constant 0 : i32
      %dma_wait3A_42 = tpu.memref_slice %arg5[%mul3A_40, %dma_wait3A_41] : memref<32x32xi32, #tpu.memory_space<vmem>> -> memref<1x32xi32, #tpu.memory_space<vmem>>
      %dma_wait3A_43 = tpu.memref_squeeze %dma_wait3A_42 : memref<1x32xi32, #tpu.memory_space<vmem>> -> memref<32xi32, #tpu.memory_space<vmem>>
      %dma_wait3A_44 = arith.constant 0 : i32
      %dma_wait3A_45 = arith.constant 0 : i32
      %dma_wait3A_46 = tpu.memref_slice %arg2[%dma_wait3A_44, %dma_wait3A_45] : memref<8192x1024xf32, #tpu.memory_space<hbm>> -> memref<8192x1024xf32, #tpu.memory_space<hbm>>
      tpu.wait_indirect_dma semaphore(%arg8 : memref<!tpu.dma_semaphore, #tpu.memory_space<semaphore_mem>>) src(%dma_wait3A_46 : memref<8192x1024xf32, #tpu.memory_space<hbm>>) dst(%arg6 : memref<32x1024xf32, #tpu.memory_space<vmem>>)
      %mul3A_47 = arith.constant 32 : i32
      %mul3A_48 = arith.muli %mul3A_40, %mul3A_47 : i32
      %add3A_49 = arith.addi %mul3A_2, %mul3A_48 : i32
      "tpu.region"() ({
        %run_scoped3A = tpu.sem_alloc : memref<!tpu.dma_semaphore, #tpu.memory_space<semaphore_mem>>
        %dma_start3A_79 = arith.constant 0 : i32
        %dma_start3A_80 = tpu.memref_slice %arg4[%add3A_49, %dma_start3A_79] : memref<32768x1024xf32, #tpu.memory_space<hbm>> -> memref<32x1024xf32, #tpu.memory_space<hbm>>
        %dma_start3A_81 = arith.constant 0 : i32
        %dma_start3A_82 = tpu.memref_slice %arg4[%add3A_49, %dma_start3A_81] : memref<32768x1024xf32, #tpu.memory_space<hbm>> -> memref<32x1024xf32, #tpu.memory_space<hbm>>
        tpu.enqueue_dma source(%arg6 : memref<32x1024xf32, #tpu.memory_space<vmem>>) target(%dma_start3A_82 : memref<32x1024xf32, #tpu.memory_space<hbm>>) target_semaphore(%run_scoped3A : memref<!tpu.dma_semaphore, #tpu.memory_space<semaphore_mem>>)
        %dma_wait3A_83 = arith.constant 0 : i32
        %dma_wait3A_84 = tpu.memref_slice %arg4[%add3A_49, %dma_wait3A_83] : memref<32768x1024xf32, #tpu.memory_space<hbm>> -> memref<32x1024xf32, #tpu.memory_space<hbm>>
        %dma_wait3A_85 = arith.constant 0 : i32
        %dma_wait3A_86 = tpu.memref_slice %arg4[%add3A_49, %dma_wait3A_85] : memref<32768x1024xf32, #tpu.memory_space<hbm>> -> memref<32x1024xf32, #tpu.memory_space<hbm>>
        tpu.wait_dma2 semaphore(%run_scoped3A : memref<!tpu.dma_semaphore, #tpu.memory_space<semaphore_mem>>) src(%arg6 : memref<32x1024xf32, #tpu.memory_space<vmem>>) dst(%dma_wait3A_86 : memref<32x1024xf32, #tpu.memory_space<hbm>>)
        tpu.yield
      }) : () -> ()
      %add3A_50 = arith.constant 2 : i32
      %add3A_51 = arith.addi %mul3A_40, %add3A_50 : i32
      %dma_start3A_52 = arith.constant 0 : i32
      %dma_start3A_53 = tpu.memref_slice %arg5[%add3A_51, %dma_start3A_52] : memref<32x32xi32, #tpu.memory_space<vmem>> -> memref<1x32xi32, #tpu.memory_space<vmem>>
      %dma_start3A_54 = tpu.memref_squeeze %dma_start3A_53 : memref<1x32xi32, #tpu.memory_space<vmem>> -> memref<32xi32, #tpu.memory_space<vmem>>
      %dma_start3A_55 = arith.constant 0 : i32
      %dma_start3A_56 = arith.constant 0 : i32
      %dma_start3A_57 = tpu.memref_slice %arg2[%dma_start3A_55, %dma_start3A_56] : memref<8192x1024xf32, #tpu.memory_space<hbm>> -> memref<8192x1024xf32, #tpu.memory_space<hbm>>
      tpu.enqueue_indirect_dma source(%dma_start3A_57 : memref<8192x1024xf32, #tpu.memory_space<hbm>>) target(%arg6 : memref<32x1024xf32, #tpu.memory_space<vmem>>) offsets(%dma_start3A_54 : memref<32xi32, #tpu.memory_space<vmem>>) semaphore(%arg8 : memref<!tpu.dma_semaphore, #tpu.memory_space<semaphore_mem>>)
      %add3A_58 = arith.constant 1 : i32
      %add3A_59 = arith.addi %mul3A_40, %add3A_58 : i32
      %dma_wait3A_60 = arith.constant 0 : i32
      %dma_wait3A_61 = tpu.memref_slice %arg5[%add3A_59, %dma_wait3A_60] : memref<32x32xi32, #tpu.memory_space<vmem>> -> memref<1x32xi32, #tpu.memory_space<vmem>>
      %dma_wait3A_62 = tpu.memref_squeeze %dma_wait3A_61 : memref<1x32xi32, #tpu.memory_space<vmem>> -> memref<32xi32, #tpu.memory_space<vmem>>
      %dma_wait3A_63 = arith.constant 0 : i32
      %dma_wait3A_64 = arith.constant 0 : i32
      %dma_wait3A_65 = tpu.memref_slice %arg2[%dma_wait3A_63, %dma_wait3A_64] : memref<8192x1024xf32, #tpu.memory_space<hbm>> -> memref<8192x1024xf32, #tpu.memory_space<hbm>>
      tpu.wait_indirect_dma semaphore(%arg9 : memref<!tpu.dma_semaphore, #tpu.memory_space<semaphore_mem>>) src(%dma_wait3A_65 : memref<8192x1024xf32, #tpu.memory_space<hbm>>) dst(%arg7 : memref<32x1024xf32, #tpu.memory_space<vmem>>)
      %add3A_66 = arith.constant 1 : i32
      %add3A_67 = arith.addi %mul3A_40, %add3A_66 : i32
      %mul3A_68 = arith.constant 32 : i32
      %mul3A_69 = arith.muli %add3A_67, %mul3A_68 : i32
      %add3A_70 = arith.addi %mul3A_2, %mul3A_69 : i32
      "tpu.region"() ({
        %run_scoped3A = tpu.sem_alloc : memref<!tpu.dma_semaphore, #tpu.memory_space<semaphore_mem>>
        %dma_start3A_79 = arith.constant 0 : i32
        %dma_start3A_80 = tpu.memref_slice %arg4[%add3A_70, %dma_start3A_79] : memref<32768x1024xf32, #tpu.memory_space<hbm>> -> memref<32x1024xf32, #tpu.memory_space<hbm>>
        %dma_start3A_81 = arith.constant 0 : i32
        %dma_start3A_82 = tpu.memref_slice %arg4[%add3A_70, %dma_start3A_81] : memref<32768x1024xf32, #tpu.memory_space<hbm>> -> memref<32x1024xf32, #tpu.memory_space<hbm>>
        tpu.enqueue_dma source(%arg7 : memref<32x1024xf32, #tpu.memory_space<vmem>>) target(%dma_start3A_82 : memref<32x1024xf32, #tpu.memory_space<hbm>>) target_semaphore(%run_scoped3A : memref<!tpu.dma_semaphore, #tpu.memory_space<semaphore_mem>>)
        %dma_wait3A_83 = arith.constant 0 : i32
        %dma_wait3A_84 = tpu.memref_slice %arg4[%add3A_70, %dma_wait3A_83] : memref<32768x1024xf32, #tpu.memory_space<hbm>> -> memref<32x1024xf32, #tpu.memory_space<hbm>>
        %dma_wait3A_85 = arith.constant 0 : i32
        %dma_wait3A_86 = tpu.memref_slice %arg4[%add3A_70, %dma_wait3A_85] : memref<32768x1024xf32, #tpu.memory_space<hbm>> -> memref<32x1024xf32, #tpu.memory_space<hbm>>
        tpu.wait_dma2 semaphore(%run_scoped3A : memref<!tpu.dma_semaphore, #tpu.memory_space<semaphore_mem>>) src(%arg7 : memref<32x1024xf32, #tpu.memory_space<vmem>>) dst(%dma_wait3A_86 : memref<32x1024xf32, #tpu.memory_space<hbm>>)
        tpu.yield
      }) : () -> ()
      %add3A_71 = arith.constant 3 : i32
      %add3A_72 = arith.addi %mul3A_40, %add3A_71 : i32
      %dma_start3A_73 = arith.constant 0 : i32
      %dma_start3A_74 = tpu.memref_slice %arg5[%add3A_72, %dma_start3A_73] : memref<32x32xi32, #tpu.memory_space<vmem>> -> memref<1x32xi32, #tpu.memory_space<vmem>>
      %dma_start3A_75 = tpu.memref_squeeze %dma_start3A_74 : memref<1x32xi32, #tpu.memory_space<vmem>> -> memref<32xi32, #tpu.memory_space<vmem>>
      %dma_start3A_76 = arith.constant 0 : i32
      %dma_start3A_77 = arith.constant 0 : i32
      %dma_start3A_78 = tpu.memref_slice %arg2[%dma_start3A_76, %dma_start3A_77] : memref<8192x1024xf32, #tpu.memory_space<hbm>> -> memref<8192x1024xf32, #tpu.memory_space<hbm>>
      tpu.enqueue_indirect_dma source(%dma_start3A_78 : memref<8192x1024xf32, #tpu.memory_space<hbm>>) target(%arg7 : memref<32x1024xf32, #tpu.memory_space<vmem>>) offsets(%dma_start3A_75 : memref<32xi32, #tpu.memory_space<vmem>>) semaphore(%arg9 : memref<!tpu.dma_semaphore, #tpu.memory_space<semaphore_mem>>)
    }
    %scan3A_20 = arith.constant 15 : i32
    %dma_wait3A = arith.constant 30 : i32
    %dma_wait3A_21 = arith.constant 0 : i32
    %dma_wait3A_22 = tpu.memref_slice %arg5[%dma_wait3A, %dma_wait3A_21] : memref<32x32xi32, #tpu.memory_space<vmem>> -> memref<1x32xi32, #tpu.memory_space<vmem>>
    %dma_wait3A_23 = tpu.memref_squeeze %dma_wait3A_22 : memref<1x32xi32, #tpu.memory_space<vmem>> -> memref<32xi32, #tpu.memory_space<vmem>>
    %dma_wait3A_24 = arith.constant 0 : i32
    %dma_wait3A_25 = arith.constant 0 : i32
    %dma_wait3A_26 = tpu.memref_slice %arg2[%dma_wait3A_24, %dma_wait3A_25] : memref<8192x1024xf32, #tpu.memory_space<hbm>> -> memref<8192x1024xf32, #tpu.memory_space<hbm>>
    tpu.wait_indirect_dma semaphore(%arg8 : memref<!tpu.dma_semaphore, #tpu.memory_space<semaphore_mem>>) src(%dma_wait3A_26 : memref<8192x1024xf32, #tpu.memory_space<hbm>>) dst(%arg6 : memref<32x1024xf32, #tpu.memory_space<vmem>>)
    %add3A_27 = arith.constant 960 : i32
    %add3A_28 = arith.addi %mul3A_2, %add3A_27 : i32
    "tpu.region"() ({
      %run_scoped3A = tpu.sem_alloc : memref<!tpu.dma_semaphore, #tpu.memory_space<semaphore_mem>>
      %dma_start3A_38 = arith.constant 0 : i32
      %dma_start3A_39 = tpu.memref_slice %arg4[%add3A_28, %dma_start3A_38] : memref<32768x1024xf32, #tpu.memory_space<hbm>> -> memref<32x1024xf32, #tpu.memory_space<hbm>>
      %dma_start3A_40 = arith.constant 0 : i32
      %dma_start3A_41 = tpu.memref_slice %arg4[%add3A_28, %dma_start3A_40] : memref<32768x1024xf32, #tpu.memory_space<hbm>> -> memref<32x1024xf32, #tpu.memory_space<hbm>>
      tpu.enqueue_dma source(%arg6 : memref<32x1024xf32, #tpu.memory_space<vmem>>) target(%dma_start3A_41 : memref<32x1024xf32, #tpu.memory_space<hbm>>) target_semaphore(%run_scoped3A : memref<!tpu.dma_semaphore, #tpu.memory_space<semaphore_mem>>)
      %dma_wait3A_42 = arith.constant 0 : i32
      %dma_wait3A_43 = tpu.memref_slice %arg4[%add3A_28, %dma_wait3A_42] : memref<32768x1024xf32, #tpu.memory_space<hbm>> -> memref<32x1024xf32, #tpu.memory_space<hbm>>
      %dma_wait3A_44 = arith.constant 0 : i32
      %dma_wait3A_45 = tpu.memref_slice %arg4[%add3A_28, %dma_wait3A_44] : memref<32768x1024xf32, #tpu.memory_space<hbm>> -> memref<32x1024xf32, #tpu.memory_space<hbm>>
      tpu.wait_dma2 semaphore(%run_scoped3A : memref<!tpu.dma_semaphore, #tpu.memory_space<semaphore_mem>>) src(%arg6 : memref<32x1024xf32, #tpu.memory_space<vmem>>) dst(%dma_wait3A_45 : memref<32x1024xf32, #tpu.memory_space<hbm>>)
      tpu.yield
    }) : () -> ()
    %dma_wait3A_29 = arith.constant 31 : i32
    %dma_wait3A_30 = arith.constant 0 : i32
    %dma_wait3A_31 = tpu.memref_slice %arg5[%dma_wait3A_29, %dma_wait3A_30] : memref<32x32xi32, #tpu.memory_space<vmem>> -> memref<1x32xi32, #tpu.memory_space<vmem>>
    %dma_wait3A_32 = tpu.memref_squeeze %dma_wait3A_31 : memref<1x32xi32, #tpu.memory_space<vmem>> -> memref<32xi32, #tpu.memory_space<vmem>>
    %dma_wait3A_33 = arith.constant 0 : i32
    %dma_wait3A_34 = arith.constant 0 : i32
    %dma_wait3A_35 = tpu.memref_slice %arg2[%dma_wait3A_33, %dma_wait3A_34] : memref<8192x1024xf32, #tpu.memory_space<hbm>> -> memref<8192x1024xf32, #tpu.memory_space<hbm>>
    tpu.wait_indirect_dma semaphore(%arg9 : memref<!tpu.dma_semaphore, #tpu.memory_space<semaphore_mem>>) src(%dma_wait3A_35 : memref<8192x1024xf32, #tpu.memory_space<hbm>>) dst(%arg7 : memref<32x1024xf32, #tpu.memory_space<vmem>>)
    %add3A_36 = arith.constant 992 : i32
    %add3A_37 = arith.addi %mul3A_2, %add3A_36 : i32
    "tpu.region"() ({
      %run_scoped3A = tpu.sem_alloc : memref<!tpu.dma_semaphore, #tpu.memory_space<semaphore_mem>>
      %dma_start3A_38 = arith.constant 0 : i32
      %dma_start3A_39 = tpu.memref_slice %arg4[%add3A_37, %dma_start3A_38] : memref<32768x1024xf32, #tpu.memory_space<hbm>> -> memref<32x1024xf32, #tpu.memory_space<hbm>>
      %dma_start3A_40 = arith.constant 0 : i32
      %dma_start3A_41 = tpu.memref_slice %arg4[%add3A_37, %dma_start3A_40] : memref<32768x1024xf32, #tpu.memory_space<hbm>> -> memref<32x1024xf32, #tpu.memory_space<hbm>>
      tpu.enqueue_dma source(%arg7 : memref<32x1024xf32, #tpu.memory_space<vmem>>) target(%dma_start3A_41 : memref<32x1024xf32, #tpu.memory_space<hbm>>) target_semaphore(%run_scoped3A : memref<!tpu.dma_semaphore, #tpu.memory_space<semaphore_mem>>)
      %dma_wait3A_42 = arith.constant 0 : i32
      %dma_wait3A_43 = tpu.memref_slice %arg4[%add3A_37, %dma_wait3A_42] : memref<32768x1024xf32, #tpu.memory_space<hbm>> -> memref<32x1024xf32, #tpu.memory_space<hbm>>
      %dma_wait3A_44 = arith.constant 0 : i32
      %dma_wait3A_45 = tpu.memref_slice %arg4[%add3A_37, %dma_wait3A_44] : memref<32768x1024xf32, #tpu.memory_space<hbm>> -> memref<32x1024xf32, #tpu.memory_space<hbm>>
      tpu.wait_dma2 semaphore(%run_scoped3A : memref<!tpu.dma_semaphore, #tpu.memory_space<semaphore_mem>>) src(%arg7 : memref<32x1024xf32, #tpu.memory_space<vmem>>) dst(%dma_wait3A_45 : memref<32x1024xf32, #tpu.memory_space<hbm>>)
      tpu.yield
    }) : () -> ()
    return
  }
}

</mosaic_0001>

<sc_bundles>
// kernel: kernel.3.cloned.1.call-start
scs
__scs_entry_jumppad:
0x0: {  	(pc) =	sbr.rel $0x88, $3  }
0x1: {  	(tag) =	ssettag $0x0;
	lr =	simm.s32 $0x1  }
0x2: {  	[smem:$0x3F9F] =	sst lr;
	_ =	strace $0xD0000000  }
0x3: {  	_ = 	snop  }
0x4: {  	_ = 	snop  }
0x5: {  	_ = 	snop  }
0x6: {  	_ = 	snop  }
0x7: {  	_ = 	snop  }
__scs_overlays_trampoline_lowered:
0x8: {  	[smem:$0x3FAE] =	sst s0  }
0x9: {  	[smem:$0x3FAF] =	sst s1  }
0xa: {  	[smem:$0x3FB0] =	sst s2  }
0xb: {  	[smem:$0x3FB1] =	sst s3  }
0xc: {  	[smem:$0x3FB2] =	sst s4  }
0xd: {  	[smem:$0x3FB3] =	sst s5  }
0xe: {  	[smem:$0x3FB4] =	sst s6  }
0xf: {  	[smem:$0x3FB5] =	sst s7  }
0x10: {  	[smem:$0x3FB6] =	sst s8  }
0x11: {  	[smem:$0x3FB7] =	sst s9;
	s0 =	simm.s32 @!p0 $0x0  }
0x12: {  	s1 =	sld [smem:$0x3F9D];
	s0 =	simm.s32 @p0 $0x1  }
0x13: {  	[smem:$0x3FB8] =	sst s0;
	s0 =	simm.s32 @!p1 $0x0  }
0x14: {  	s2 =	sld [smem:$0x3F9C];
	s0 =	simm.s32 @p1 $0x1  }
0x15: {  	[smem:$0x3FB9] =	sst s0;
	s0 =	simm.s32 @!p2 $0x0  }
0x16: {  	s3 =	sld [smem:$0x3FDB];
	s0 =	simm.s32 @p2 $0x1  }
0x17: {  	s4 =	simm.s32 $0x1BF5;
	[smem:$0x3FBB] =	sst s0  }
0x18: {  	s0 =	sld [smem:$0x3F9E];
	_ =	swait.ge [sflag:s4], $0x0  }
0x19: {  	s7 =	sld [smem:$0x3F9F]  }
0x1a: {  	s8 =	sadd.s32 $0xFFFFE003, lr  }
0x1b: {  	s9 =	sadd.s32 $0xFFFFFEF7, lr;
	s5 =	simm.s32 $0xFFFFFFFF;
	p2 =	slt.u32 s8, $0xFFFFF086  }
0x1c: {  	p1 =	slt.u32 s9, $0xF7A;
	s5 =	simm.s32 @!p2 $0x0  }
0x1d: {  	s5 =	simm.s32 @p1 $0x1;
	p0 =	seq.s32 s7, s2  }
0x1e: {  	s7 =	smul.u32 @!p0 $0xF7A, s2;
	p2 =	seq.s32 @!p0 s5, $0x0  }
0x1f: {  	s9 =	smul.u32 $0xF7A, s1;
	s8 =	simm.s32 @!p0 $0x1BF5;
	p2 =	por !p2, p0  }
0x20: {  	[sflag:s8] =	ssyncset.s32 @!p0 $0xFFFFF086;
	s6 =	sadd.s32 @!p0 s3, s7;
	s7 =	simm.s32 @!p0 $0x108  }
0x21: {  	s3 =	sadd.s32 s3, s9;
	s6 =	sadd.s32 @!p0 $0x88, s6;
	s7 =	simm.s32 @p2 $0x1082  }
0x22: {  	[simem:s7], [sflag:s8] =	dma.local @!p0 [hbm:s6], $0xF7A  }
0x23: {  	s9 =	sor.u32 $0xD0000000, s2;
	s6 =	simm.s32 $0x108;
	_ =	swait.ge @!p0 [sflag:s8], $0x0  }
0x24: {  	s3 =	sadd.s32 $0x88, s3;
	s6 =	simm.s32 @!p1 $0x1082;
	[sflag:s4] =	ssyncset.s32 $0xFFFFF086  }
0x25: {  	[simem:s6], [sflag:s4] =	dma.local [hbm:s3], $0xF7A  }
0x26: {  	[smem:$0x3F9F] =	sst s1;
	(tag) =	ssettag s2;
	_ =	strace s9  }
0x27: {  	s1 =	sld [smem:$0x3FAF]  }
0x28: {  	s2 =	sld [smem:$0x3FB0]  }
0x29: {  	s4 =	sld [smem:$0x3FB2]  }
0x2a: {  	p0 =	seq.s32 s5, $0x0;
	s5 =	sld [smem:$0x3FB3]  }
0x2b: {  	s6 =	sld [smem:$0x3FB4]  }
0x2c: {  	s7 =	sld [smem:$0x3FB5]  }
0x2d: {  	s3 =	simm.s32 $0x108;
	s8 =	sld [smem:$0x3FB6]  }
0x2e: {  	s3 =	simm.s32 @!p0 $0x1082;
	s9 =	sld [smem:$0x3FB7]  }
0x2f: {  	lr =	sadd.s32 s0, s3;
	s0 =	sld [smem:$0x3FAE]  }
0x30: {  	s3 =	sld [smem:$0x3FB1]  }
0x31: {  	[smem:$0x3FBA] =	sst s10  }
0x32: {  	s10 =	sld [smem:$0x3FB8];
	_ =	sdelay $0x3  }
0x33: {  	p0 =	seq.s32 s10, $0x1;
	s10 =	sld [smem:$0x3FBA];
	_ =	sdelay $0x3  }
0x34: {  	[smem:$0x3FBA] =	sst s10  }
0x35: {  	s10 =	sld [smem:$0x3FB9];
	_ =	sdelay $0x3  }
0x36: {  	p1 =	seq.s32 s10, $0x1;
	s10 =	sld [smem:$0x3FBA];
	_ =	sdelay $0x3  }
0x37: {  	[smem:$0x3FBA] =	sst s10  }
0x38: {  	s10 =	sld [smem:$0x3FBB]  }
0x39: {  	_ = 	snop;
	(pc) =	sbr.ind lr, $3  }
0x3a: {  	_ = 	snop  }
0x3b: {  	_ = 	snop  }
0x3c: {  	p2 =	seq.s32 s10, $0x1;
	s10 =	sld [smem:$0x3FBA]  }
0x3d: {  	_ =	shalt  }
0x3e: {  	_ =	shalt  }
0x3f: {  	_ =	shalt  }
0x40: {  	_ =	shalt  }
0x41: {  	_ =	shalt  }
0x42: {  	_ =	shalt  }
0x43: {  	_ =	shalt  }
0x44: {  	_ =	shalt  }
0x45: {  	_ =	shalt  }
0x46: {  	_ =	shalt  }
0x47: {  	_ =	shalt  }
0x48: {  	_ =	shalt  }
0x49: {  	_ =	shalt  }
0x4a: {  	_ =	shalt  }
0x4b: {  	_ =	shalt  }
0x4c: {  	_ =	shalt  }
0x4d: {  	_ =	shalt  }
0x4e: {  	_ =	shalt  }
0x4f: {  	_ =	shalt  }
0x50: {  	_ =	shalt  }
0x51: {  	_ =	shalt  }
0x52: {  	_ =	shalt  }
0x53: {  	_ =	shalt  }
0x54: {  	_ =	shalt  }
0x55: {  	_ =	shalt  }
0x56: {  	_ =	shalt  }
0x57: {  	_ =	shalt  }
0x58: {  	_ =	shalt  }
0x59: {  	_ =	shalt  }
0x5a: {  	_ =	shalt  }
0x5b: {  	_ =	shalt  }
0x5c: {  	_ =	shalt  }
0x5d: {  	_ =	shalt  }
0x5e: {  	_ =	shalt  }
0x5f: {  	_ =	shalt  }
0x60: {  	_ =	shalt  }
0x61: {  	_ =	shalt  }
0x62: {  	_ =	shalt  }
0x63: {  	_ =	shalt  }
0x64: {  	_ =	shalt  }
0x65: {  	_ =	shalt  }
0x66: {  	_ =	shalt  }
0x67: {  	_ =	shalt  }
0x68: {  	_ =	shalt  }
0x69: {  	_ =	shalt  }
0x6a: {  	_ =	shalt  }
0x6b: {  	_ =	shalt  }
0x6c: {  	_ =	shalt  }
0x6d: {  	_ =	shalt  }
0x6e: {  	_ =	shalt  }
0x6f: {  	_ =	shalt  }
0x70: {  	_ =	shalt  }
0x71: {  	_ =	shalt  }
0x72: {  	_ =	shalt  }
0x73: {  	_ =	shalt  }
0x74: {  	_ =	shalt  }
0x75: {  	_ =	shalt  }
0x76: {  	_ =	shalt  }
0x77: {  	_ =	shalt  }
0x78: {  	_ =	shalt  }
0x79: {  	_ =	shalt  }
0x7a: {  	_ =	shalt  }
0x7b: {  	_ =	shalt  }
0x7c: {  	_ =	shalt  }
0x7d: {  	_ =	shalt  }
0x7e: {  	_ =	shalt  }
0x7f: {  	_ =	shalt  }
0x80: {  	_ =	shalt  }
0x81: {  	_ =	shalt  }
0x82: {  	_ =	shalt  }
0x83: {  	_ =	shalt  }
0x84: {  	_ =	shalt  }
0x85: {  	_ =	shalt  }
0x86: {  	_ =	shalt  }
0x87: {  	_ =	shalt  }
.Lfunc_end0:
.L_simem_size_0:
called_computation_lowered:
.L_overlay_start_0:
0x88: {  	s2 =	sld [smem:$0x3FD9]  }
0x89: {  	s3 =	sld [smem:$0x3FFE];
	_ =	sdelay $0x1  }
0x8a: {  	s1 =	srdreg.scid  }
0x8b: {  	s0 =	sand.u32 $0x1, s1  }
0x8c: {  	s17 =	sshll.u32 s0, $0xA;
	s2 =	sadd.s32 s3, s2  }
0x8d: {  	s2 =	sadd.s32 s2, s17  }
0x8e: {  	[smem:$0x3FC6] =	sst s2  }
0x8f: {  	_ = 	snop  }
0x90: {  	s2 =	sld [smem:$0x3FC8]  }
0x91: {  	s18 =	sld [smem:$0x3FD0];
	(tm) =	ssettm $0x1  }
0x92: {  	s4 =	sld [smem:$0x3FFB];
	_ =	sdelay $0x3  }
0x93: {  	_ =	strace s4  }
0x94: {  	s4 =	sld [smem:$0x3FFC];
	_ =	sdelay $0x3  }
0x95: {  	_ =	strace s4  }
0x96: {  	s4 =	sld [smem:$0x3FFD];
	_ =	sdelay $0x3  }
0x97: {  	_ =	strace s4  }
0x98: {  	_ =	strace $0x8FFFFFFF  }
0x99: {  	s19 =	sld [smem:$0x3FDB];
	_ =	sdelay $0x1  }
0x9a: {  	s5 =	simm.s32 $_scs_section_size  }
0x9b: {  	s6 =	simm.s32 $_size__tile_overlayer_lowered;
	s7 =	simm.s32 $_tile_overlayer_lowered  }
0x9c: {  	s22 =	simm.s32 $0x1BFF;
	s21 =	sshll.u32 s7, $0x1;
	s4 =	sadd.s32 s5, s19  }
0x9d: {  	s8 =	simm.s32 $0x0;
	s20 =	sshll.u32 s6, $0x1;
	s6 =	sadd.s32 s21, s4  }
0x9e: {  	[timem:s8], [sflag:s22] =	dma.local [hbm:s6], s20  }
0x9f: {  	_ =	swait.ge [sflag:s22], s20  }
0xa0: {  	s5 =	ssub.s32 $0x0, s20;
	[sflag:s22] =	ssyncset.done $0x0  }
0xa1: {  	[sflag:s22] =	ssyncadd.s32 s5;
	_ =	sdelay $0x1  }
0xa2: {  	s23 =	simm.s32 $0x1B8B  }
0xa3: {  	_ =	swait.ge [sflag:s23], $0x1  }
0xa4: {  	[sflag:s23] =	ssyncset.done $0x0  }
0xa5: {  	s25 =	simm.s32 $0x1B8E;
	s24 =	sld [smem:$0x3FFE];
	[sflag:s23] =	ssyncadd.s32 $0xFFFFFFFF  }
0xa6: {  	s26 =	simm.s32 $execute0_lowered;
	[smem:$0x3FD2] =	sst s25  }
0xa7: {  	s6 =	sshll.u32 s26, $0x1;
	_ =	strace $0x80000046;
	[dreg:$0x1] =	wrdreg $0xFFFFFFFF  }
0xa8: {  	s28 =	simm.s32 $_size_execute0_lowered;
	s4 =	sadd.s32 s4, s6;
	[dreg:$0x0] =	wrdreg $0x0  }
0xa9: {  	s6 =	sshll.u32 s28, $0x1;
	[dreg:$0x2] =	wrdreg s4  }
0xaa: {  	[dreg:$0x3] =	wrdreg s6  }
0xab: {  	[dreg:$0x4] =	wrdreg $0xC0  }
0xac: {  	_ =	task [dreg:s8], $0x5FFFF  }
0xad: {  	[dreg:$0x1] =	wrdreg $0xFFFFFFFF  }
0xae: {  	[dreg:$0x0] =	wrdreg $0x60  }
0xaf: {  	[dreg:$0x2] =	wrdreg s2  }
0xb0: {  	[dreg:$0x3] =	wrdreg s24  }
0xb1: {  	[dreg:$0x4] =	wrdreg s18  }
0xb2: {  	[dreg:$0x5] =	wrdreg $0x9  }
0xb3: {  	_ =	task.clear_ibuf [dreg:s8], $0x6FFFF;
	_ =	strace $0x90000046  }
0xb4: {  	s29 =	simm.s32 $0x9;
	_ =	strace $0x80000048  }
0xb5: {  	_ =	swait.ge [sflag:s29], $0x1  }
0xb6: {  	[sflag:s29] =	ssyncadd.s32 $0xFFFFFFFF  }
0xb7: {  	_ =	strace $0x90000048  }
0xb8: {  	_ =	sfence  }
0xb9: {  	s30 =	sld [smem:$0x0];
	_ =	sdelay $0x2  }
0xba: {  	s31 =	sshll.u32 s1, $0xD;
	s1 =	sshrl.u32 s1, $0x2  }
0xbb: {  	s3 =	sand.u32 $0x4000, s31;
	s1 =	sadd.s32 s1, s30  }
0xbc: {  	s0 =	sor.u32 s3, s0;
	s1 =	sshll.u32 s1, $0x11  }
0xbd: {  	s0 =	sor.u32 s1, s0  }
0xbe: {  	s0 =	sadd.s32 $0x8F2B, s0  }
0xbf: {  	[sflag:s0] =	ssyncadd.remote.s32 $0x1  }
0xc0: {  	_ =	sfence.sel $0xFFFF  }
0xc1: {  	[dreg:$0x0] =	wrdreg $0xFFFFFFFF;
	(pc) =	sbr.abs _section_cstart, $3  }
0xc2: {  	[dreg:$0x1] =	wrdreg $0xFFFFFFFF  }
0xc3: {  	_ =	task.clear_ibuf [dreg:s8], $0x2FFFF;
	_ =	strace $0x9FFFFFFF  }
0xc4: {  	(tm) =	ssettm $0x7FFFFFFF  }
0xc5: {  	_ =	shalt  }
tec
execute0_lowered:
.L_overlay_start_1:
0x0: {  	(tag) =	ssettag $0x1  }
0x1: {  	s1 =	rddreg [dreg:$0x0]  }
0x2: {  	s0 =	rddreg [dreg:$0x1]  }
0x3: {  	s2 =	srdreg.scid;
	s9 =	stileid.u32  }
0x4: {  	s4 =	rddreg [dreg:$0x2];
	s3 =	simm.s32 $0x0;
	s11 =	simm.s32 $0x3  }
0x5: {  	s28 =	simm.s32 $0x1000;
	s30 =	simm.s32 $0x3800;
	s10 =	simm.s32 $0x6800  }
0x6: {  	s13 =	simm.s32 $0x7000;
	s14 =	simm.s32 $0x7800;
	s15 =	simm.s32 $0x8000  }
0x7: {  	s16 =	simm.s32 $0x8800;
	s29 =	simm.s32 $0x9000;
	s17 =	simm.s32 $0x9800  }
0x8: {  	s18 =	simm.s32 $0xA000;
	s19 =	simm.s32 $0xA800;
	s12 =	simm.s32 $0xB000  }
0x9: {  	s31 =	simm.s32 $0xB800;
	s2 =	sand.u32 $0x1, s2;
	s5 =	sshll.u32 s9, $0x1  }
0xa: {  	[smem:$0x7FF] =	sst s3;
	s22 =	sshll.u32 s9, $0x12;
	s9 =	simm.s32 $0x6000  }
0xb: {  	s5 =	sor.u32 s2, s5;
	s7 =	ssub.s32 $0x2, s2;
	_ =	strace $0x80000047  }
0xc: {  	s2 =	sshll.u32 s2, $0x11;
	s6 =	sshll.u32 s5, $0x9;
	s20 =	sshrl.u32 s7, $0x1  }
0xd: {  	s21 =	sshll.u32 s5, $0x11;
	s5 =	sadd.s32 $0x100, s1;
	s0 =	sadd.s32 s6, s0  }
0xe: {  	s8 =	ssub.s32 s7, s20;
	s6 =	sadd.s32 $0x200, s1;
	s23 =	sadd.s32 s21, s4  }
0xf: {  	s7 =	sadd.s32 $0x300, s1;
	s20 =	simm.s32 $0x1;
	s0 =	sadd.s32 $0x400, s0  }
0x10: {  	s21 =	simm.s32 $0x2;
	s24 =	sadd.s32 $0x1E000, s23;
	[dreg:$0x5] =	wrdreg s0  }
0x11: {  	s25 =	sadd.s32 $0x1F000, s23;
	s26 =	smax.u32 s8, $0x1;
	[dreg:$0x6] =	wrdreg s24  }
0x12: {  	s23 =	simm.s32 $0x1800;
	s8 =	simm.s32 $0x5800;
	[dreg:$0x7] =	wrdreg s25  }
0x13: {  	s0 =	sadd.s32 s22, s4;
	[dreg:$0x8] =	wrdreg s26;
	s24 =	simm.s32 $0x2000  }
0x14: {  	v2 =	vlaneseq.u32;
	s25 =	simm.s32 $0x2800;
	s26 =	simm.s32 $0x3000;
	s22 =	simm.s32 $0x0  }
0x15: {  	vm0 =	vmmov $0xffff;
	v1 =	vshrl.u32 v2, $0x3;
	s4 =	simm.s32 $0x5000;
	s0 =	sadd.s32 s2, s0;
	[dreg:$0x9] =	wrdreg s22  }
0x16: {  	v0 =	vand.u32 $0x7, v2;
	v2 =	vor.u32 $0x8, v2;
	v1 =	vmul.u32 $0x8, v1;
	s2 =	simm.s32 $0x4000;
	[dreg:$0x4] =	wrdreg s0;
	s0 =	simm.s32 $0x4800  }
.LBB2_1:
0x17: {  	s22 =	rddreg [dreg:$0x5]  }
0x18: {  	[tilespmem:s3], [sflag:$0x3] =	stream.linear.gather [hbm4b:s22+s3], $0x1000, $0x38;
	[tilespmem:$0x11000] =	vst v63  }
0x19: {  	_ =	swait.ge [sflag:s11], $0x1000  }
0x1a: {  	[sflag:s11] =	ssyncset.done $0x0  }
0x1b: {  	[sflag:s11] =	ssyncadd.s32 $0xFFFFF000  }
0x1c: {  	v3 =	vld [tilespmem:$0x0];
	_ =	sdelay $0x4  }
0x1d: {  	v4 =	vshll.u32 v3, $0x3  }
0x1e: {  	v3 =	vand.u32 $0x7, v3;
	v4 =	vand.u32 $0xFFFFFFC0, v4  }
0x1f: {  	v3 =	vor.u32 v3, v4  }
0x20: {  	v4 =	vperm.xlane v3, v0;
	_ =	sdelay $0x1  }
0x21: {  	v4 =	vadd.s32 v1, v4;
	_ =	sdelay $0x4  }
0x22: {  	[tilespmem:s28], [sflag:$0x1] =	stream.indirect_vreg.gather [hbm4b:s1+s3], $0x80, v4, vm0, $0xb8;
	[tilespmem:$0x11000] =	vst v63  }
0x23: {  	v3 =	vperm.xlane v3, v2  }
0x24: {  	[tilespmem:s23], [sflag:$0x1] =	stream.indirect_vreg.gather [hbm4b:s5+s3], $0x80, v4, vm0, $0xb8;
	[tilespmem:$0x11000] =	vst v63  }
0x25: {  	v3 =	vadd.s32 v1, v3  }
0x26: {  	[tilespmem:s24], [sflag:$0x1] =	stream.indirect_vreg.gather [hbm4b:s6+s3], $0x80, v4, vm0, $0xb8;
	[tilespmem:$0x11000] =	vst v63  }
0x27: {  	_ = 	snop  }
0x28: {  	[tilespmem:s25], [sflag:$0x1] =	stream.indirect_vreg.gather [hbm4b:s7+s3], $0x80, v4, vm0, $0xb8;
	[tilespmem:$0x11000] =	vst v63  }
0x29: {  	_ = 	snop  }
0x2a: {  	[tilespmem:s26], [sflag:$0x1] =	stream.indirect_vreg.gather [hbm4b:s1+s3], $0x80, v3, vm0, $0xb8;
	[tilespmem:$0x11000] =	vst v63  }
0x2b: {  	_ = 	snop  }
0x2c: {  	[tilespmem:s30], [sflag:$0x1] =	stream.indirect_vreg.gather [hbm4b:s5+s3], $0x80, v3, vm0, $0xb8;
	[tilespmem:$0x11000] =	vst v63  }
0x2d: {  	_ = 	snop  }
0x2e: {  	[tilespmem:s2], [sflag:$0x1] =	stream.indirect_vreg.gather [hbm4b:s6+s3], $0x80, v3, vm0, $0xb8;
	[tilespmem:$0x11000] =	vst v63  }
0x2f: {  	_ = 	snop  }
0x30: {  	[tilespmem:s0], [sflag:$0x1] =	stream.indirect_vreg.gather [hbm4b:s7+s3], $0x80, v3, vm0, $0xb8;
	[tilespmem:$0x11000] =	vst v63  }
0x31: {  	v3 =	vld [tilespmem:$0x10];
	_ =	sdelay $0x4  }
0x32: {  	v61 =	vshll.u32 v3, $0x3  }
0x33: {  	v3 =	vand.u32 $0x7, v3;
	v4 =	vand.u32 $0xFFFFFFC0, v61  }
0x34: {  	v3 =	vor.u32 v3, v4  }
0x35: {  	v4 =	vperm.xlane v3, v0;
	_ =	sdelay $0x1  }
0x36: {  	v4 =	vadd.s32 v1, v4;
	_ =	sdelay $0x4  }
0x37: {  	[tilespmem:s4], [sflag:$0x1] =	stream.indirect_vreg.gather [hbm4b:s1+s3], $0x80, v4, vm0, $0xb8;
	[tilespmem:$0x11000] =	vst v63  }
0x38: {  	v3 =	vperm.xlane v3, v2  }
0x39: {  	[tilespmem:s8], [sflag:$0x1] =	stream.indirect_vreg.gather [hbm4b:s5+s3], $0x80, v4, vm0, $0xb8;
	[tilespmem:$0x11000] =	vst v63  }
0x3a: {  	v3 =	vadd.s32 v1, v3  }
0x3b: {  	[tilespmem:s9], [sflag:$0x1] =	stream.indirect_vreg.gather [hbm4b:s6+s3], $0x80, v4, vm0, $0xb8;
	[tilespmem:$0x11000] =	vst v63  }
0x3c: {  	_ = 	snop  }
0x3d: {  	[tilespmem:s10], [sflag:$0x1] =	stream.indirect_vreg.gather [hbm4b:s7+s3], $0x80, v4, vm0, $0xb8;
	[tilespmem:$0x11000] =	vst v63  }
0x3e: {  	_ = 	snop  }
0x3f: {  	[tilespmem:s13], [sflag:$0x1] =	stream.indirect_vreg.gather [hbm4b:s1+s3], $0x80, v3, vm0, $0xb8;
	[tilespmem:$0x11000] =	vst v63  }
0x40: {  	_ = 	snop  }
0x41: {  	[tilespmem:s14], [sflag:$0x1] =	stream.indirect_vreg.gather [hbm4b:s5+s3], $0x80, v3, vm0, $0xb8;
	[tilespmem:$0x11000] =	vst v63  }
0x42: {  	_ = 	snop  }
0x43: {  	[tilespmem:s15], [sflag:$0x1] =	stream.indirect_vreg.gather [hbm4b:s6+s3], $0x80, v3, vm0, $0xb8;
	[tilespmem:$0x11000] =	vst v63  }
0x44: {  	_ = 	snop  }
0x45: {  	[tilespmem:s16], [sflag:$0x1] =	stream.indirect_vreg.gather [hbm4b:s7+s3], $0x80, v3, vm0, $0xb8;
	[tilespmem:$0x11000] =	vst v63  }
0x46: {  	v3 =	vld [tilespmem:$0x80];
	_ =	sdelay $0x4  }
0x47: {  	v62 =	vshll.u32 v3, $0x3  }
0x48: {  	v3 =	vand.u32 $0x7, v3;
	v4 =	vand.u32 $0xFFFFFFC0, v62  }
0x49: {  	v3 =	vor.u32 v3, v4  }
0x4a: {  	v4 =	vperm.xlane v3, v0;
	_ =	sdelay $0x1  }
0x4b: {  	v4 =	vadd.s32 v1, v4;
	_ =	sdelay $0x4  }
0x4c: {  	[tilespmem:s29], [sflag:$0x2] =	stream.indirect_vreg.gather [hbm4b:s1+s3], $0x80, v4, vm0, $0xb8;
	[tilespmem:$0x11000] =	vst v63  }
0x4d: {  	v3 =	vperm.xlane v3, v2  }
0x4e: {  	[tilespmem:s17], [sflag:$0x2] =	stream.indirect_vreg.gather [hbm4b:s5+s3], $0x80, v4, vm0, $0xb8;
	[tilespmem:$0x11000] =	vst v63  }
0x4f: {  	v3 =	vadd.s32 v1, v3  }
0x50: {  	[tilespmem:s18], [sflag:$0x2] =	stream.indirect_vreg.gather [hbm4b:s6+s3], $0x80, v4, vm0, $0xb8;
	[tilespmem:$0x11000] =	vst v63  }
0x51: {  	_ = 	snop  }
0x52: {  	[tilespmem:s19], [sflag:$0x2] =	stream.indirect_vreg.gather [hbm4b:s7+s3], $0x80, v4, vm0, $0xb8;
	[tilespmem:$0x11000] =	vst v63  }
0x53: {  	_ = 	snop  }
0x54: {  	[tilespmem:s12], [sflag:$0x2] =	stream.indirect_vreg.gather [hbm4b:s1+s3], $0x80, v3, vm0, $0xb8;
	[tilespmem:$0x11000] =	vst v63  }
0x55: {  	_ = 	snop  }
0x56: {  	[tilespmem:s31], [sflag:$0x2] =	stream.indirect_vreg.gather [hbm4b:s5+s3], $0x80, v3, vm0, $0xb8;
	[tilespmem:$0x11000] =	vst v63  }
0x57: {  	s18 =	simm.s32 $0xC000  }
0x58: {  	[tilespmem:s18], [sflag:$0x2] =	stream.indirect_vreg.gather [hbm4b:s6+s3], $0x80, v3, vm0, $0xb8;
	[tilespmem:$0x11000] =	vst v63  }
0x59: {  	s19 =	simm.s32 $0xC800  }
0x5a: {  	[tilespmem:s19], [sflag:$0x2] =	stream.indirect_vreg.gather [hbm4b:s7+s3], $0x80, v3, vm0, $0xb8;
	[tilespmem:$0x11000] =	vst v63  }
0x5b: {  	v3 =	vld [tilespmem:$0x90];
	_ =	sdelay $0x4  }
0x5c: {  	v63 =	vshll.u32 v3, $0x3  }
0x5d: {  	v3 =	vand.u32 $0x7, v3;
	v4 =	vand.u32 $0xFFFFFFC0, v63  }
0x5e: {  	v3 =	vor.u32 v3, v4  }
0x5f: {  	v4 =	vperm.xlane v3, v0;
	_ =	sdelay $0x1  }
0x60: {  	v4 =	vadd.s32 v1, v4;
	_ =	sdelay $0x2  }
0x61: {  	s22 =	simm.s32 $0xD000;
	s28 =	simm.s32 $0xF800  }
0x62: {  	s23 =	simm.s32 $0xD800;
	s24 =	simm.s32 $0xE000;
	s25 =	simm.s32 $0xE800  }
0x63: {  	[tilespmem:s22], [sflag:$0x2] =	stream.indirect_vreg.gather [hbm4b:s1+s3], $0x80, v4, vm0, $0xb8;
	[tilespmem:$0x11000] =	vst v63  }
0x64: {  	s26 =	simm.s32 $0xF000;
	s30 =	simm.s32 $0x3000;
	s2 =	simm.s32 $0x4000;
	v3 =	vperm.xlane v3, v2  }
0x65: {  	[tilespmem:s23], [sflag:$0x2] =	stream.indirect_vreg.gather [hbm4b:s5+s3], $0x80, v4, vm0, $0xb8;
	[tilespmem:$0x11000] =	vst v63  }
0x66: {  	s0 =	simm.s32 $0x4800;
	s4 =	simm.s32 $0x5000;
	s8 =	simm.s32 $0x5800;
	v3 =	vadd.s32 v1, v3  }
0x67: {  	[tilespmem:s24], [sflag:$0x2] =	stream.indirect_vreg.gather [hbm4b:s6+s3], $0x80, v4, vm0, $0xb8;
	[tilespmem:$0x11000] =	vst v63  }
0x68: {  	s9 =	simm.s32 $0x6000;
	s10 =	simm.s32 $0x6800;
	s13 =	simm.s32 $0x7000  }
0x69: {  	[tilespmem:s25], [sflag:$0x2] =	stream.indirect_vreg.gather [hbm4b:s7+s3], $0x80, v4, vm0, $0xb8;
	[tilespmem:$0x11000] =	vst v63  }
0x6a: {  	s14 =	simm.s32 $0x7800;
	s15 =	simm.s32 $0x8000;
	s16 =	simm.s32 $0x8800  }
0x6b: {  	[tilespmem:s26], [sflag:$0x2] =	stream.indirect_vreg.gather [hbm4b:s1+s3], $0x80, v3, vm0, $0xb8;
	[tilespmem:$0x11000] =	vst v63  }
0x6c: {  	s29 =	simm.s32 $0x10000;
	s17 =	simm.s32 $0x9800;
	s12 =	simm.s32 $0xB000  }
0x6d: {  	[tilespmem:s28], [sflag:$0x2] =	stream.indirect_vreg.gather [hbm4b:s5+s3], $0x80, v3, vm0, $0xb8;
	[tilespmem:$0x11000] =	vst v63  }
0x6e: {  	s31 =	simm.s32 $0x10800;
	s18 =	simm.s32 $0xA000;
	s19 =	simm.s32 $0xA800  }
0x6f: {  	[tilespmem:s29], [sflag:$0x2] =	stream.indirect_vreg.gather [hbm4b:s6+s3], $0x80, v3, vm0, $0xb8;
	[tilespmem:$0x11000] =	vst v63  }
0x70: {  	s22 =	simm.s32 $0x190;
	s23 =	simm.s32 $0x0;
	s26 =	simm.s32 $0x2000  }
0x71: {  	[tilespmem:s31], [sflag:$0x2] =	stream.indirect_vreg.gather [hbm4b:s7+s3], $0x80, v3, vm0, $0xb8;
	[tilespmem:$0x11000] =	vst v63  }
.LBB2_2:
0x72: {  	_ =	swait.ge [sflag:s20], $0x8000  }
0x73: {  	s24 =	rddreg [dreg:$0x4];
	[sflag:s20] =	ssyncset.done $0x0  }
0x74: {  	s29 =	simm.s32 $0x1000;
	[sflag:s20] =	ssyncadd.s32 $0xFFFF8000;
	s24 =	sadd.s32 s23, s24  }
0x75: {  	[hbm4b:s24+s3] =	stream.linear.scatter [tilespmem:s29], [sflag:$0x3], $0x8000, $0x38;
	[tilespmem:$0x11000] =	vst v63  }
0x76: {  	_ =	swait.ge [sflag:s11], $0x8000  }
0x77: {  	[sflag:s11] =	ssyncset.done $0x0  }
0x78: {  	[sflag:s11] =	ssyncadd.s32 $0xFFFF8000  }
0x79: {  	v3 =	vld [tilespmem:s22+$0xFFFFFF70];
	_ =	sdelay $0x4  }
0x7a: {  	v4 =	vshll.u32 v3, $0x3  }
0x7b: {  	v3 =	vand.u32 $0x7, v3;
	v4 =	vand.u32 $0xFFFFFFC0, v4  }
0x7c: {  	v3 =	vor.u32 v3, v4  }
0x7d: {  	v4 =	vperm.xlane v3, v0;
	_ =	sdelay $0x1  }
0x7e: {  	v4 =	vadd.s32 v1, v4;
	_ =	sdelay $0x4  }
0x7f: {  	[tilespmem:s29], [sflag:$0x1] =	stream.indirect_vreg.gather [hbm4b:s1+s3], $0x80, v4, vm0, $0xb8;
	[tilespmem:$0x11000] =	vst v63  }
0x80: {  	s25 =	simm.s32 $0x1800;
	v3 =	vperm.xlane v3, v2  }
0x81: {  	[tilespmem:s25], [sflag:$0x1] =	stream.indirect_vreg.gather [hbm4b:s5+s3], $0x80, v4, vm0, $0xb8;
	[tilespmem:$0x11000] =	vst v63  }
0x82: {  	v3 =	vadd.s32 v1, v3  }
0x83: {  	[tilespmem:s26], [sflag:$0x1] =	stream.indirect_vreg.gather [hbm4b:s6+s3], $0x80, v4, vm0, $0xb8;
	[tilespmem:$0x11000] =	vst v63  }
0x84: {  	s25 =	simm.s32 $0x2800  }
0x85: {  	[tilespmem:s25], [sflag:$0x1] =	stream.indirect_vreg.gather [hbm4b:s7+s3], $0x80, v4, vm0, $0xb8;
	[tilespmem:$0x11000] =	vst v63  }
0x86: {  	_ = 	snop  }
0x87: {  	[tilespmem:s30], [sflag:$0x1] =	stream.indirect_vreg.gather [hbm4b:s1+s3], $0x80, v3, vm0, $0xb8;
	[tilespmem:$0x11000] =	vst v63  }
0x88: {  	s25 =	simm.s32 $0x3800  }
0x89: {  	[tilespmem:s25], [sflag:$0x1] =	stream.indirect_vreg.gather [hbm4b:s5+s3], $0x80, v3, vm0, $0xb8;
	[tilespmem:$0x11000] =	vst v63  }
0x8a: {  	_ = 	snop  }
0x8b: {  	[tilespmem:s2], [sflag:$0x1] =	stream.indirect_vreg.gather [hbm4b:s6+s3], $0x80, v3, vm0, $0xb8;
	[tilespmem:$0x11000] =	vst v63  }
0x8c: {  	_ = 	snop  }
0x8d: {  	[tilespmem:s0], [sflag:$0x1] =	stream.indirect_vreg.gather [hbm4b:s7+s3], $0x80, v3, vm0, $0xb8;
	[tilespmem:$0x11000] =	vst v63  }
0x8e: {  	v3 =	vld [tilespmem:s22+$0xFFFFFF80];
	_ =	sdelay $0x4  }
0x8f: {  	v61 =	vshll.u32 v3, $0x3  }
0x90: {  	v3 =	vand.u32 $0x7, v3;
	v4 =	vand.u32 $0xFFFFFFC0, v61  }
0x91: {  	v3 =	vor.u32 v3, v4  }
0x92: {  	v4 =	vperm.xlane v3, v0;
	_ =	sdelay $0x1  }
0x93: {  	v4 =	vadd.s32 v1, v4;
	_ =	sdelay $0x4  }
0x94: {  	[tilespmem:s4], [sflag:$0x1] =	stream.indirect_vreg.gather [hbm4b:s1+s3], $0x80, v4, vm0, $0xb8;
	[tilespmem:$0x11000] =	vst v63  }
0x95: {  	v3 =	vperm.xlane v3, v2  }
0x96: {  	[tilespmem:s8], [sflag:$0x1] =	stream.indirect_vreg.gather [hbm4b:s5+s3], $0x80, v4, vm0, $0xb8;
	[tilespmem:$0x11000] =	vst v63  }
0x97: {  	v3 =	vadd.s32 v1, v3  }
0x98: {  	[tilespmem:s9], [sflag:$0x1] =	stream.indirect_vreg.gather [hbm4b:s6+s3], $0x80, v4, vm0, $0xb8;
	[tilespmem:$0x11000] =	vst v63  }
0x99: {  	_ = 	snop  }
0x9a: {  	[tilespmem:s10], [sflag:$0x1] =	stream.indirect_vreg.gather [hbm4b:s7+s3], $0x80, v4, vm0, $0xb8;
	[tilespmem:$0x11000] =	vst v63  }
0x9b: {  	_ = 	snop  }
0x9c: {  	[tilespmem:s13], [sflag:$0x1] =	stream.indirect_vreg.gather [hbm4b:s1+s3], $0x80, v3, vm0, $0xb8;
	[tilespmem:$0x11000] =	vst v63  }
0x9d: {  	_ = 	snop  }
0x9e: {  	[tilespmem:s14], [sflag:$0x1] =	stream.indirect_vreg.gather [hbm4b:s5+s3], $0x80, v3, vm0, $0xb8;
	[tilespmem:$0x11000] =	vst v63  }
0x9f: {  	_ = 	snop  }
0xa0: {  	[tilespmem:s15], [sflag:$0x1] =	stream.indirect_vreg.gather [hbm4b:s6+s3], $0x80, v3, vm0, $0xb8;
	[tilespmem:$0x11000] =	vst v63  }
0xa1: {  	_ = 	snop  }
0xa2: {  	[tilespmem:s16], [sflag:$0x1] =	stream.indirect_vreg.gather [hbm4b:s7+s3], $0x80, v3, vm0, $0xb8;
	[tilespmem:$0x11000] =	vst v63  }
0xa3: {  	_ =	swait.ge [sflag:s21], $0x8000  }
0xa4: {  	[sflag:s21] =	ssyncset.done $0x0  }
0xa5: {  	s24 =	sadd.s32 $0x1000, s24;
	s25 =	simm.s32 $0x9000;
	[sflag:s21] =	ssyncadd.s32 $0xFFFF8000  }
0xa6: {  	[hbm4b:s24+s3] =	stream.linear.scatter [tilespmem:s25], [sflag:$0x3], $0x8000, $0x38;
	[tilespmem:$0x11000] =	vst v63  }
0xa7: {  	_ =	swait.ge [sflag:s11], $0x8000  }
0xa8: {  	[sflag:s11] =	ssyncset.done $0x0  }
0xa9: {  	[sflag:s11] =	ssyncadd.s32 $0xFFFF8000  }
0xaa: {  	v3 =	vld [tilespmem:s22+$0xFFFFFFF0];
	_ =	sdelay $0x4  }
0xab: {  	v62 =	vshll.u32 v3, $0x3  }
0xac: {  	v3 =	vand.u32 $0x7, v3;
	v4 =	vand.u32 $0xFFFFFFC0, v62  }
0xad: {  	v3 =	vor.u32 v3, v4  }
0xae: {  	v4 =	vperm.xlane v3, v0;
	_ =	sdelay $0x1  }
0xaf: {  	v4 =	vadd.s32 v1, v4;
	_ =	sdelay $0x4  }
0xb0: {  	[tilespmem:s25], [sflag:$0x2] =	stream.indirect_vreg.gather [hbm4b:s1+s3], $0x80, v4, vm0, $0xb8;
	[tilespmem:$0x11000] =	vst v63  }
0xb1: {  	v3 =	vperm.xlane v3, v2  }
0xb2: {  	[tilespmem:s17], [sflag:$0x2] =	stream.indirect_vreg.gather [hbm4b:s5+s3], $0x80, v4, vm0, $0xb8;
	[tilespmem:$0x11000] =	vst v63  }
0xb3: {  	v3 =	vadd.s32 v1, v3  }
0xb4: {  	[tilespmem:s18], [sflag:$0x2] =	stream.indirect_vreg.gather [hbm4b:s6+s3], $0x80, v4, vm0, $0xb8;
	[tilespmem:$0x11000] =	vst v63  }
0xb5: {  	_ = 	snop  }
0xb6: {  	[tilespmem:s19], [sflag:$0x2] =	stream.indirect_vreg.gather [hbm4b:s7+s3], $0x80, v4, vm0, $0xb8;
	[tilespmem:$0x11000] =	vst v63  }
0xb7: {  	_ = 	snop  }
0xb8: {  	[tilespmem:s12], [sflag:$0x2] =	stream.indirect_vreg.gather [hbm4b:s1+s3], $0x80, v3, vm0, $0xb8;
	[tilespmem:$0x11000] =	vst v63  }
0xb9: {  	s25 =	simm.s32 $0xB800  }
0xba: {  	[tilespmem:s25], [sflag:$0x2] =	stream.indirect_vreg.gather [hbm4b:s5+s3], $0x80, v3, vm0, $0xb8;
	[tilespmem:$0x11000] =	vst v63  }
0xbb: {  	s25 =	simm.s32 $0xC000  }
0xbc: {  	[tilespmem:s25], [sflag:$0x2] =	stream.indirect_vreg.gather [hbm4b:s6+s3], $0x80, v3, vm0, $0xb8;
	[tilespmem:$0x11000] =	vst v63  }
0xbd: {  	s25 =	simm.s32 $0xC800  }
0xbe: {  	[tilespmem:s25], [sflag:$0x2] =	stream.indirect_vreg.gather [hbm4b:s7+s3], $0x80, v3, vm0, $0xb8;
	[tilespmem:$0x11000] =	vst v63  }
0xbf: {  	v3 =	vld [tilespmem:s22+$0x0];
	_ =	sdelay $0x4  }
0xc0: {  	v63 =	vshll.u32 v3, $0x3  }
0xc1: {  	v3 =	vand.u32 $0x7, v3;
	v4 =	vand.u32 $0xFFFFFFC0, v63  }
0xc2: {  	v3 =	vor.u32 v3, v4  }
0xc3: {  	v4 =	vperm.xlane v3, v0;
	_ =	sdelay $0x1  }
0xc4: {  	v4 =	vadd.s32 v1, v4;
	_ =	sdelay $0x3  }
0xc5: {  	s25 =	simm.s32 $0xD000  }
0xc6: {  	[tilespmem:s25], [sflag:$0x2] =	stream.indirect_vreg.gather [hbm4b:s1+s3], $0x80, v4, vm0, $0xb8;
	[tilespmem:$0x11000] =	vst v63  }
0xc7: {  	v3 =	vperm.xlane v3, v2;
	s25 =	simm.s32 $0xD800  }
0xc8: {  	[tilespmem:s25], [sflag:$0x2] =	stream.indirect_vreg.gather [hbm4b:s5+s3], $0x80, v4, vm0, $0xb8;
	[tilespmem:$0x11000] =	vst v63  }
0xc9: {  	v3 =	vadd.s32 v1, v3;
	s25 =	simm.s32 $0xE000  }
0xca: {  	[tilespmem:s25], [sflag:$0x2] =	stream.indirect_vreg.gather [hbm4b:s6+s3], $0x80, v4, vm0, $0xb8;
	[tilespmem:$0x11000] =	vst v63  }
0xcb: {  	s25 =	simm.s32 $0xE800  }
0xcc: {  	[tilespmem:s25], [sflag:$0x2] =	stream.indirect_vreg.gather [hbm4b:s7+s3], $0x80, v4, vm0, $0xb8;
	[tilespmem:$0x11000] =	vst v63  }
0xcd: {  	s25 =	simm.s32 $0xF000  }
0xce: {  	[tilespmem:s25], [sflag:$0x2] =	stream.indirect_vreg.gather [hbm4b:s1+s3], $0x80, v3, vm0, $0xb8;
	[tilespmem:$0x11000] =	vst v63  }
0xcf: {  	p0 =	sne.s32 s23, $0x1C000;
	s25 =	simm.s32 $0xF800  }
0xd0: {  	[tilespmem:s25], [sflag:$0x2] =	stream.indirect_vreg.gather [hbm4b:s5+s3], $0x80, v3, vm0, $0xb8;
	[tilespmem:$0x11000] =	vst v63  }
.Ltmp0:
0xd1: {  	_ = 	snop;
	(pc) =	sbr.rel @p0 .LBB2_2-.Ltmp0, $4  }
0xd2: {  	s28 =	simm.s32 $0x1000;
	s25 =	simm.s32 $0x10000  }
0xd3: {  	[tilespmem:s25], [sflag:$0x2] =	stream.indirect_vreg.gather [hbm4b:s6+s3], $0x80, v3, vm0, $0xb8;
	[tilespmem:$0x11000] =	vst v63  }
0xd4: {  	s23 =	sadd.s32 $0x2000, s23;
	s29 =	simm.s32 $0x9000;
	s22 =	sadd.s32 $0x100, s22  }
0xd5: {  	[tilespmem:s31], [sflag:$0x2] =	stream.indirect_vreg.gather [hbm4b:s7+s3], $0x80, v3, vm0, $0xb8;
	[tilespmem:$0x11000] =	vst v63  }
0xd6: {  	_ =	swait.ge [sflag:s20], $0x8000  }
0xd7: {  	[sflag:s20] =	ssyncset.done $0x0  }
0xd8: {  	s22 =	rddreg [dreg:$0x6];
	[sflag:s20] =	ssyncadd.s32 $0xFFFF8000  }
0xd9: {  	[hbm4b:s22+s3] =	stream.linear.scatter [tilespmem:s28], [sflag:$0x3], $0x8000, $0x38;
	[tilespmem:$0x11000] =	vst v63  }
0xda: {  	_ =	swait.ge [sflag:s11], $0x8000  }
0xdb: {  	[sflag:s11] =	ssyncset.done $0x0  }
0xdc: {  	[sflag:s11] =	ssyncadd.s32 $0xFFFF8000  }
0xdd: {  	_ =	swait.ge [sflag:s21], $0x8000  }
0xde: {  	s23 =	simm.s32 $0x1800;
	[sflag:s21] =	ssyncset.done $0x0  }
0xdf: {  	s24 =	simm.s32 $0x2000;
	s25 =	rddreg [dreg:$0x7];
	[sflag:s21] =	ssyncadd.s32 $0xFFFF8000  }
0xe0: {  	[hbm4b:s25+s3] =	stream.linear.scatter [tilespmem:s29], [sflag:$0x3], $0x8000, $0x38;
	[tilespmem:$0x11000] =	vst v63  }
0xe1: {  	s30 =	simm.s32 $0x3800;
	s2 =	simm.s32 $0x4000;
	_ =	swait.ge [sflag:s11], $0x8000  }
0xe2: {  	s4 =	simm.s32 $0x5000;
	s8 =	simm.s32 $0x5800;
	s0 =	rddreg [dreg:$0x9]  }
0xe3: {  	s9 =	simm.s32 $0x6000;
	s26 =	rddreg [dreg:$0x8];
	s0 =	sadd.s32 $0x1, s0  }
0xe4: {  	s10 =	simm.s32 $0x6800;
	s13 =	simm.s32 $0x7000;
	p0 =	sne.s32 s0, s26  }
.Ltmp1:
0xe5: {  	s14 =	simm.s32 $0x7800;
	s15 =	simm.s32 $0x8000;
	(pc) =	sbr.rel @p0 .LBB2_1-.Ltmp1, $4  }
0xe6: {  	s16 =	simm.s32 $0x8800;
	s17 =	simm.s32 $0x9800;
	s18 =	simm.s32 $0xA000  }
0xe7: {  	s19 =	simm.s32 $0xA800;
	s12 =	simm.s32 $0xB000;
	[sflag:s11] =	ssyncset.done $0x0  }
0xe8: {  	s31 =	simm.s32 $0xB800;
	s25 =	simm.s32 $0x2800;
	[sflag:s11] =	ssyncadd.s32 $0xFFFF8000  }
0xe9: {  	[dreg:$0x9] =	wrdreg s0;
	s26 =	simm.s32 $0x3000;
	s0 =	simm.s32 $0x4800  }
0xea: {  	_ =	sfence.sel $0x180000  }
0xeb: {  	[bflag:$0x0] =	sbarrier.arrive $0xFFFF  }
0xec: {  	_ =	strace $0x90000047  }
0xed: {  	s0 =	stileid.u32;
	[bflag:$0x2] =	sbarrier.arrive $0xFFFF  }
0xee: {  	p0 =	sne.s32 s0, $0x0;
	s0 =	rddreg [dreg:$0x3]  }
0xef: {  	s0 =	sadd.s32 @!p0 $0x100000, s0  }
0xf0: {  	[sflag:s0] =	ssyncadd.tile.s32 @!p0 $0x1;
	_ =	shalt  }
.Lfunc_end2:
_tile_overlayer_lowered:
.L_overlay_start_2:
0xf1: {  	(tag) =	ssettag $0x2  }
0xf2: {  	s0 =	rddreg [dreg:$0x0];
	s2 =	stileid.u32  }
0xf3: {  	s1 =	rddreg [dreg:$0x1];
	p0 =	sne.s32 s2, $0x0  }
0xf4: {  	s3 =	rddreg [dreg:$0x2];
	[bflag:$0x3] =	sbarrier.arrive $0xFFFF;
	s2 =	simm.s32 @!p0 $0x1C03  }
0xf5: {  	[timem:s3], [sflag:s2] =	dma.local @!p0 [hbm:s0], s1  }
0xf6: {  	s0 =	simm.s32 @!p0 $0x3  }
0xf7: {  	_ =	swait.ge @!p0 [sflag:s0], s1  }
0xf8: {  	s1 =	ssub.s32 @!p0 $0x0, s1;
	[sflag:s0] =	ssyncset.done @!p0 $0x0  }
0xf9: {  	[sflag:s0] =	ssyncadd.s32 @!p0 s1  }
0xfa: {  	[bflag:$0x3] =	sbarrier.arrive $0xFFFF  }
0xfb: {  	_ =	shalt  }

</sc_bundles>
